<compile_context>
chip_gen: v7x
topology: tpu7x:2x2x1
jax: 0.10.2.dev20260603
libtpu: 0.0.44.dev20260713+nightly
codegen_flags: <defaults>
</compile_context>

<pallas_src>
import functools

import jax
import jax.numpy as jnp
from jax import lax
from jax.experimental import pallas as pl
from jax.experimental.pallas import tpu as pltpu
from jax.experimental.pallas import tpu_sc as plsc

N0 = 100000
N1 = 25000
N2 = 6250

NC = 2
NS = 16
GL = 512
NG = 2


def _rup(x, m):
    return (x + m - 1) // m * m


def _mesh():
    return plsc.VectorSubcoreMesh(core_axis_name="c", subcore_axis_name="s")


_SC_PARAMS = pltpu.CompilerParams(use_tc_tiling_on_sc=False)


@functools.partial(jax.jit, static_argnames=("n_out", "edge_split"))
def _segsum(xA, xB, srcp, dstp, n_out, edge_split=False):
    e_pad = srcp.shape[0]
    h = xA.shape[1]
    n_pad = _rup(n_out + 8, NS * GL)
    ept = e_pad // (NC * NS if edge_split else NS)
    nstep = ept // (NG * GL)
    total_groups = nstep * NG
    zspan = n_pad // NS
    nz = zspan // GL

    @functools.partial(
        pl.kernel,
        out_type=jax.ShapeDtypeStruct((NC, n_pad, h), jnp.float32),
        mesh=_mesh(),
        scratch_types=[
            [pltpu.VMEM((GL,), jnp.int32)] * NG,
            [pltpu.VMEM((GL,), jnp.int32)] * NG,
            [pltpu.VMEM((GL, h), jnp.float32)] * NG,
            pltpu.VMEM_SHARED((n_pad, h), jnp.float32),
            pltpu.SemaphoreType.DMA,
            pltpu.SemaphoreType.DMA,
            pltpu.SemaphoreType.DMA,
        ],
        compiler_params=_SC_PARAMS,
    )
    def k(xA_h, xB_h, src_h, dst_h, out_h, sbufs, dbufs, rowss, acc, sem_i, sem_g, sem_s):
        c = lax.axis_index("c")
        s = lax.axis_index("s")
        base = s * zspan
        zv = jnp.zeros((16,), jnp.float32)

        def zb(i, carry):
            for j in range(h // 16):
                rowss[0][i, pl.ds(j * 16, 16)] = zv
            return carry

        lax.fori_loop(0, GL, zb, 0)

        def zc(i, carry):
            pltpu.sync_copy(rowss[0], acc.at[pl.ds(base + i * GL, GL)])
            return carry

        lax.fori_loop(0, nz, zc, 0)
        plsc.subcore_barrier()

        if edge_split:
            ebase = (c * NS + s) * ept
        else:
            ebase = s * ept

        def load_group(m, grp):
            off = ebase + m * GL
            pltpu.async_copy(src_h.at[pl.ds(off, GL)], sbufs[grp], sem_i)
            pltpu.async_copy(dst_h.at[pl.ds(off, GL)], dbufs[grp], sem_i)

        def wait_idx():
            pltpu.make_async_copy(src_h.at[pl.ds(0, GL)], sbufs[0], sem_i).wait()
            pltpu.make_async_copy(dst_h.at[pl.ds(0, GL)], dbufs[0], sem_i).wait()

        def fire_gather(grp):
            if edge_split:
                pltpu.async_copy(xA_h.at[sbufs[grp]], rowss[grp], sem_g)
            else:
                @pl.when(c == 0)
                def _():
                    pltpu.async_copy(xA_h.at[sbufs[grp]], rowss[grp], sem_g)

                @pl.when(c == 1)
                def _():
                    pltpu.async_copy(xB_h.at[sbufs[grp]], rowss[grp], sem_g)

        def wait_gather(grp):
            pltpu.make_async_copy(xA_h.at[sbufs[grp]], rowss[grp], sem_g).wait()

        def fire_scatter(grp):
            pltpu.async_copy(rowss[grp], acc.at[dbufs[grp]], sem_s, add=True)

        def wait_scatter(grp):
            pltpu.make_async_copy(rowss[grp], acc.at[dbufs[grp]], sem_s).wait()

        load_group(0, 0)
        wait_idx()
        fire_gather(0)

        def body(m, carry):
            for grp in range(NG):
                g_idx = m * NG + grp
                nxt = (grp + 1) % NG

                @pl.when(g_idx + 1 < total_groups)
                def _():
                    load_group(g_idx + 1, nxt)
                    wait_idx()
                    fire_gather(nxt)

                wait_gather(grp)
                fire_scatter(grp)
                wait_scatter(grp)
            return carry

        lax.fori_loop(0, nstep, body, 0)
        plsc.subcore_barrier()

        def dr(i, carry):
            sl = pl.ds(base + i * GL, GL)
            pltpu.sync_copy(acc.at[sl], out_h.at[c, sl])
            return carry

        lax.fori_loop(0, nz, dr, 0)

    out = k(xA, xB, srcp, dstp)
    if edge_split:
        return out[0, :n_out] + out[1, :n_out]
    return jnp.concatenate([out[0, :n_out], out[1, :n_out]], axis=1)


@functools.partial(jax.jit, static_argnames=("n_out",))
def _take_rows(tA, tB, idxp, n_out):
    h = tA.shape[1]
    n_outp = idxp.shape[0]
    span = n_outp // NS
    nstep = span // (NG * GL)
    total_groups = nstep * NG

    @functools.partial(
        pl.kernel,
        out_type=jax.ShapeDtypeStruct((NC, n_outp, h), jnp.float32),
        mesh=_mesh(),
        scratch_types=[
            [pltpu.VMEM((GL,), jnp.int32)] * NG,
            [pltpu.VMEM((GL, h), jnp.float32)] * NG,
            pltpu.SemaphoreType.DMA,
            pltpu.SemaphoreType.DMA,
            pltpu.SemaphoreType.DMA,
        ],
        compiler_params=_SC_PARAMS,
    )
    def k(tA_h, tB_h, idx_h, out_h, ibufs, rowss, sem_i, sem_g, sem_o):
        c = lax.axis_index("c")
        s = lax.axis_index("s")
        ebase = s * span

        def load_group(m, grp):
            pltpu.async_copy(idx_h.at[pl.ds(ebase + m * GL, GL)], ibufs[grp], sem_i)

        def wait_idx():
            pltpu.make_async_copy(idx_h.at[pl.ds(0, GL)], ibufs[0], sem_i).wait()

        def fire_gather(grp):
            @pl.when(c == 0)
            def _():
                pltpu.async_copy(tA_h.at[ibufs[grp]], rowss[grp], sem_g)

            @pl.when(c == 1)
            def _():
                pltpu.async_copy(tB_h.at[ibufs[grp]], rowss[grp], sem_g)

        def wait_gather(grp):
            pltpu.make_async_copy(tA_h.at[ibufs[grp]], rowss[grp], sem_g).wait()

        def fire_out(m, grp):
            pltpu.async_copy(rowss[grp], out_h.at[c, pl.ds(ebase + m * GL, GL)], sem_o)

        def wait_out(m, grp):
            pltpu.make_async_copy(rowss[grp], out_h.at[c, pl.ds(ebase + m * GL, GL)], sem_o).wait()

        load_group(0, 0)
        wait_idx()
        fire_gather(0)

        def body(m, carry):
            for grp in range(NG):
                g_idx = m * NG + grp
                nxt = (grp + 1) % NG

                @pl.when(g_idx + 1 < total_groups)
                def _():
                    load_group(g_idx + 1, nxt)
                    wait_idx()
                    fire_gather(nxt)

                wait_gather(grp)
                fire_out(g_idx, grp)
                wait_out(g_idx, grp)
            return carry

        lax.fori_loop(0, nstep, body, 0)

    out = k(tA, tB, idxp)
    return jnp.concatenate([out[0, :n_out], out[1, :n_out]], axis=1)


def _pad_edges(src, dst, n_out, nworkers):
    unit = nworkers * NG * GL
    e = src.shape[0]
    e_pad = _rup(e, unit)
    pad = e_pad - e
    srcp = jnp.concatenate([src, jnp.zeros((pad,), jnp.int32)])
    dstp = jnp.concatenate([dst, jnp.full((pad,), n_out, jnp.int32)])
    return srcp, dstp


def _pad_idx(idx):
    n = idx.shape[0]
    n_pad = _rup(n, NS * NG * GL)
    return jnp.concatenate([idx, jnp.zeros((n_pad - n,), jnp.int32)])


_JNP_SEG = False


def _segsum_jnp(xA, xB, srcp, dstp, n_out):
    x = jnp.concatenate([xA, xB], axis=1)
    return jax.ops.segment_sum(jnp.take(x, srcp, axis=0), dstp, num_segments=n_out + 1)[:n_out]


def _take_jnp(tA, tB, idxp, n_out):
    t = jnp.concatenate([tA, tB], axis=1)
    return jnp.take(t, idxp[:n_out], axis=0)


def _segsum_jnp_full(h, srcp, dstp, n_out):
    return jax.ops.segment_sum(jnp.take(h, srcp, axis=0), dstp, num_segments=n_out + 1)[:n_out]


def _halves(x):
    hh = x.shape[1] // 2
    return x[:, :hh], x[:, hh:]


def _bn(x, g, be):
    m = jnp.mean(x, axis=0)
    v = jnp.var(x, axis=0)
    return (x - m) * lax.rsqrt(v + 1e-5) * g + be


def _spconv(x, srcp, dstp, Ws, Wn, b, n):
    hn = x @ Wn
    if _JNP_SEG:
        agg = jax.ops.segment_sum(jnp.take(hn, srcp, axis=0), dstp, num_segments=n + 1)[:n]
    else:
        hnA, hnB = _halves(hn)
        agg = _segsum(hnA, hnB, srcp, dstp, n)
    return x @ Ws + agg + b


def _res(x, srcp, dstp, p, nm, n):
    h = jax.nn.relu(_bn(_spconv(x, srcp, dstp, p[nm + "_c1_Ws"], p[nm + "_c1_Wn"], p[nm + "_c1_b"], n),
                        p[nm + "_bn1_g"], p[nm + "_bn1_be"]))
    h = _bn(_spconv(h, srcp, dstp, p[nm + "_c2_Ws"], p[nm + "_c2_Wn"], p[nm + "_c2_b"], n),
            p[nm + "_bn2_g"], p[nm + "_bn2_be"])
    return jax.nn.relu(h + x)


def kernel(x, params, edge_index0, edge_index1, edge_index2, pool_idx1, pool_idx2):
    p = params
    s0p, d0p = _pad_edges(edge_index0[0], edge_index0[1], N0, NS)
    s1p, d1p = _pad_edges(edge_index1[0], edge_index1[1], N1, NS)
    s2p, d2p = _pad_edges(edge_index2[0], edge_index2[1], N2, NS)
    ar0 = jnp.arange(N0, dtype=jnp.int32)
    ar1 = jnp.arange(N1, dtype=jnp.int32)
    pool1s, pool1d = _pad_edges(ar0, pool_idx1.astype(jnp.int32), N1, NS)
    pool2s, pool2d = _pad_edges(ar1, pool_idx2.astype(jnp.int32), N2, NS)

    z = _spconv(x, s0p, d0p, p["stem_c_Ws"], p["stem_c_Wn"], p["stem_c_b"], N0)
    x0 = jax.nn.relu(_bn(z, p["stem_bn_g"], p["stem_bn_be"]))

    x1 = _res(x0, s0p, d0p, p, "enc1", N0)

    _tak = _take_jnp if _JNP_SEG else _take_rows
    if _JNP_SEG:
        c1 = _segsum_jnp_full(x1 @ p["down1_W"], pool1s, pool1d, N1) + p["down1_b"]
    else:
        hpA, hpB = _halves(x1 @ p["down1_W"])
        c1 = _segsum(hpA, hpB, pool1s, pool1d, N1) + p["down1_b"]

    x2 = _res(c1, s1p, d1p, p, "enc2", N1)

    if _JNP_SEG:
        c2 = _segsum_jnp_full(x2 @ p["down2_W"], pool2s, pool2d, N2) + p["down2_b"]
    else:
        hqA, hqB = _halves(x2 @ p["down2_W"])
        c2 = _segsum(hqA, hqB, pool2s, pool2d, N2) + p["down2_b"]

    x3 = _res(c2, s2p, d2p, p, "bott", N2)

    if _JNP_SEG:
        u1 = jnp.take(x3 @ p["up1_W"], pool_idx2, axis=0) + p["up1_b"]
    else:
        t1A, t1B = _halves(x3 @ p["up1_W"] + p["up1_b"])
        u1 = _tak(t1A, t1B, _pad_idx(pool_idx2.astype(jnp.int32)), N1)

    y1 = _res(u1, s1p, d1p, p, "dec1", N1)

    if _JNP_SEG:
        u2 = jnp.take(y1 @ p["up2_W"], pool_idx1, axis=0) + p["up2_b"]
    else:
        t2A, t2B = _halves(y1 @ p["up2_W"] + p["up2_b"])
        u2 = _tak(t2A, t2B, _pad_idx(pool_idx1.astype(jnp.int32)), N0)

    y0 = _res(u2, s0p, d0p, p, "dec2", N0)
    return y0 @ p["head_W"] + p["head_b"]

# --- scband reference (transcript-rebuilt; emitter-appended) ---
"""Pipeline reference for scband-simple4-dunet-13408887898759 (READ-ONLY COPY).

The authoritative reference and input builder live on the scoring server;
editing this copy changes nothing except your own understanding.
"""

import jax, jax.numpy as jnp
import numpy as np

N0 = 100000
N1 = 25000
N2 = 6250
E0 = 1600000
E1 = 400000
E2 = 100000
C_IN = 7
C = 32


def _init_params(key):
    p = {}
    kit = iter(jax.random.split(key, 64))

    def norm(shape, scale):
        return jax.random.normal(next(kit), shape, jnp.float32) * scale

    def conv(name, cin, cout):
        s = 1.0 / np.sqrt(3.0 * cin)
        p[name + "_Ws"] = norm((cin, cout), s)
        p[name + "_Wn"] = norm((cin, cout), s)
        p[name + "_b"] = jnp.zeros((cout,), jnp.float32)

    def bn(name, c):
        p[name + "_g"] = jnp.ones((c,), jnp.float32)
        p[name + "_be"] = jnp.zeros((c,), jnp.float32)

    def lin(name, cin, cout):
        p[name + "_W"] = norm((cin, cout), 1.0 / np.sqrt(cin))
        p[name + "_b"] = jnp.zeros((cout,), jnp.float32)

    def res(name, c):
        conv(name + "_c1", c, c)
        bn(name + "_bn1", c)
        conv(name + "_c2", c, c)
        bn(name + "_bn2", c)

    conv("stem_c", C_IN, C)
    bn("stem_bn", C)
    res("enc1", C)
    lin("down1", C, 2 * C)
    res("enc2", 2 * C)
    lin("down2", 2 * C, 4 * C)
    res("bott", 4 * C)
    lin("up1", 4 * C, 2 * C)
    res("dec1", 2 * C)
    lin("up2", 2 * C, C)
    res("dec2", C)
    lin("head", C, 1)
    return p


def _spconv(x, src, dst, Ws, Wn, b, n):
    msg = jnp.take(x @ Wn, src, axis=0)
    agg = jax.ops.segment_sum(msg, dst, num_segments=n)
    return x @ Ws + agg + b


def _bn(x, g, be):
    m = jnp.mean(x, axis=0)
    v = jnp.var(x, axis=0)
    return (x - m) * jax.lax.rsqrt(v + 1e-5) * g + be


def _res(x, src, dst, p, nm, n):
    h = jax.nn.relu(_bn(_spconv(x, src, dst, p[nm + "_c1_Ws"], p[nm + "_c1_Wn"], p[nm + "_c1_b"], n), p[nm + "_bn1_g"], p[nm + "_bn1_be"]))
    h = _bn(_spconv(h, src, dst, p[nm + "_c2_Ws"], p[nm + "_c2_Wn"], p[nm + "_c2_b"], n), p[nm + "_bn2_g"], p[nm + "_bn2_be"])
    return jax.nn.relu(h + x)


def _forward(x, p, e0, e1, e2, pi1, pi2):
    s0, d0 = e0[0], e0[1]
    s1, d1 = e1[0], e1[1]
    s2, d2 = e2[0], e2[1]
    x0 = jax.nn.relu(_bn(_spconv(x, s0, d0, p["stem_c_Ws"], p["stem_c_Wn"], p["stem_c_b"], N0), p["stem_bn_g"], p["stem_bn_be"]))
    x1 = _res(x0, s0, d0, p, "enc1", N0)
    c1 = jax.ops.segment_sum(x1 @ p["down1_W"], pi1, num_segments=N1) + p["down1_b"]
    x2 = _res(c1, s1, d1, p, "enc2", N1)
    c2 = jax.ops.segment_sum(x2 @ p["down2_W"], pi2, num_segments=N2) + p["down2_b"]
    x3 = _res(c2, s2, d2, p, "bott", N2)
    u1 = jnp.take(x3 @ p["up1_W"], pi2, axis=0) + p["up1_b"]
    y1 = _res(u1, s1, d1, p, "dec1", N1)
    u2 = jnp.take(y1 @ p["up2_W"], pi1, axis=0) + p["up2_b"]
    y0 = _res(u2, s0, d0, p, "dec2", N0)
    return y0 @ p["head_W"] + p["head_b"]


def setup_inputs(seed: int = 0) -> dict:
    key = jax.random.key(seed)
    ks = jax.random.split(key, 8)
    x = jax.random.normal(ks[0], (N0, C_IN), jnp.float32)
    edge_index0 = jax.random.randint(ks[1], (2, E0), 0, N0)
    edge_index1 = jax.random.randint(ks[2], (2, E1), 0, N1)
    edge_index2 = jax.random.randint(ks[3], (2, E2), 0, N2)
    pool_idx1 = jax.random.randint(ks[4], (N0,), 0, N1)
    pool_idx2 = jax.random.randint(ks[5], (N1,), 0, N2)
    params = _init_params(ks[6])
    return {"x": x, "params": params, "edge_index0": edge_index0, "edge_index1": edge_index1, "edge_index2": edge_index2, "pool_idx1": pool_idx1, "pool_idx2": pool_idx2}


def reference(x, params, edge_index0, edge_index1, edge_index2, pool_idx1, pool_idx2):
    return _forward(x, params, edge_index0, edge_index1, edge_index2, pool_idx1, pool_idx2)

if __name__ == "__main__":
    import jax
    _d = setup_inputs()
    print(jax.jit(kernel)(*tuple(_d.values())))

</pallas_src>

<mosaic_0001>
#map = affine_map<(d0, d1) -> (0, 0)>
#map1 = affine_map<(d0, d1) -> (0)>
#map2 = affine_map<(d0, d1) -> (0, 0, 0)>
module attributes {stable_mosaic.version = 14 : i64} {
  func.func @k(%arg0: i32, %arg1: i32, %arg2: memref<100000x32xf32, #tpu.memory_space<hbm>>, %arg3: memref<100000x32xf32, #tpu.memory_space<hbm>>, %arg4: memref<114688xi32, #tpu.memory_space<hbm>>, %arg5: memref<114688xi32, #tpu.memory_space<hbm>>, %arg6: memref<2x32768x32xf32, #tpu.memory_space<hbm>>, %arg7: memref<512xi32, #tpu.memory_space<vmem>>, %arg8: memref<512xi32, #tpu.memory_space<vmem>>, %arg9: memref<512xi32, #tpu.memory_space<vmem>>, %arg10: memref<512xi32, #tpu.memory_space<vmem>>, %arg11: memref<512x32xf32, #tpu.memory_space<vmem>>, %arg12: memref<512x32xf32, #tpu.memory_space<vmem>>, %arg13: memref<32768x32xf32, #tpu.memory_space<vmem_shared>>, %arg14: memref<!tpu.dma_semaphore, #tpu.memory_space<semaphore_mem>>, %arg15: memref<!tpu.dma_semaphore, #tpu.memory_space<semaphore_mem>>, %arg16: memref<!tpu.dma_semaphore, #tpu.memory_space<semaphore_mem>>) attributes {dimension_semantics = [#tpu.dimension_semantics<core_parallel>, #tpu.dimension_semantics<subcore_parallel>], iteration_bounds = array<i64: 2, 16>, scalar_prefetch = 0 : i64, scratch_operands = 10 : i64, tpu.core_type = #tpu.core_type<sc_vector_subcore>, window_params = [{transform_indices = #map}, {transform_indices = #map}, {transform_indices = #map1}, {transform_indices = #map1}, {transform_indices = #map2}]} {
    %mul3A = arith.constant 2048 : i32
    %mul3A_0 = arith.muli %arg1, %mul3A : i32
    %broadcast_in_dim3A = arith.constant 0.000000e+00 : f32
    %broadcast_in_dim3A_1 = vector.broadcast %broadcast_in_dim3A : f32 to vector<16xf32>
    %scan3A = arith.constant 0 : i32
    %scan3A_2 = arith.constant 0 : i32
    %scan3A_3 = arith.constant 512 : i32
    %scan3A_4 = arith.addi %scan3A_2, %scan3A_3 : i32
    %scan3A_5 = arith.constant 1 : i32
    scf.for %scan3A_46 = %scan3A_2 to %scan3A_4 step %scan3A_5  : i32 {
      %swap3A = arith.index_cast %scan3A_46 : i32 to index
      %swap3A_47 = arith.constant 0 : index
      %swap3A_48 = tpu.vector_load %arg11[%swap3A, %swap3A_47] {strides = array<i32>} : memref<512x32xf32, #tpu.memory_space<vmem>>, vector<1x16xf32>,
      %swap3A_49 = vector.shape_cast %swap3A_48 : vector<1x16xf32> to vector<16xf32>
      %swap3A_50 = vector.shape_cast %broadcast_in_dim3A_1 : vector<16xf32> to vector<1x16xf32>
      tpu.vector_store %arg11[%swap3A, %swap3A_47], %swap3A_50 {strides = array<i32>} : memref<512x32xf32, #tpu.memory_space<vmem>>, vector<1x16xf32>,
      %swap3A_51 = arith.index_cast %scan3A_46 : i32 to index
      %swap3A_52 = arith.constant 16 : index
      %swap3A_53 = tpu.vector_load %arg11[%swap3A_51, %swap3A_52] {strides = array<i32>} : memref<512x32xf32, #tpu.memory_space<vmem>>, vector<1x16xf32>,
      %swap3A_54 = vector.shape_cast %swap3A_53 : vector<1x16xf32> to vector<16xf32>
      %swap3A_55 = vector.shape_cast %broadcast_in_dim3A_1 : vector<16xf32> to vector<1x16xf32>
      tpu.vector_store %arg11[%swap3A_51, %swap3A_52], %swap3A_55 {strides = array<i32>} : memref<512x32xf32, #tpu.memory_space<vmem>>, vector<1x16xf32>,
    }
    %scan3A_6 = arith.constant 512 : i32
    %scan3A_7 = arith.constant 0 : i32
    %scan3A_8 = arith.constant 0 : i32
    %scan3A_9 = arith.constant 4 : i32
    %scan3A_10 = arith.addi %scan3A_8, %scan3A_9 : i32
    %scan3A_11 = arith.constant 1 : i32
    scf.for %scan3A_46 = %scan3A_8 to %scan3A_10 step %scan3A_11  : i32 {
      %mul3A_47 = arith.constant 512 : i32
      %mul3A_48 = arith.muli %scan3A_46, %mul3A_47 : i32
      %add3A_49 = arith.addi %mul3A_0, %mul3A_48 : i32
      "tpu.region"() ({
        %run_scoped3A = tpu.sem_alloc : memref<!tpu.dma_semaphore, #tpu.memory_space<semaphore_mem>>
        %dma_start3A_50 = arith.constant 0 : i32
        %dma_start3A_51 = tpu.memref_slice %arg13[%add3A_49, %dma_start3A_50] : memref<32768x32xf32, #tpu.memory_space<vmem_shared>> -> memref<512x32xf32, #tpu.memory_space<vmem_shared>>
        %dma_start3A_52 = arith.constant 0 : i32
        %dma_start3A_53 = tpu.memref_slice %arg13[%add3A_49, %dma_start3A_52] : memref<32768x32xf32, #tpu.memory_space<vmem_shared>> -> memref<512x32xf32, #tpu.memory_space<vmem_shared>>
        tpu.enqueue_dma source(%arg11 : memref<512x32xf32, #tpu.memory_space<vmem>>) target(%dma_start3A_53 : memref<512x32xf32, #tpu.memory_space<vmem_shared>>) target_semaphore(%run_scoped3A : memref<!tpu.dma_semaphore, #tpu.memory_space<semaphore_mem>>)
        %dma_wait3A_54 = arith.constant 0 : i32
        %dma_wait3A_55 = tpu.memref_slice %arg13[%add3A_49, %dma_wait3A_54] : memref<32768x32xf32, #tpu.memory_space<vmem_shared>> -> memref<512x32xf32, #tpu.memory_space<vmem_shared>>
        %dma_wait3A_56 = arith.constant 0 : i32
        %dma_wait3A_57 = tpu.memref_slice %arg13[%add3A_49, %dma_wait3A_56] : memref<32768x32xf32, #tpu.memory_space<vmem_shared>> -> memref<512x32xf32, #tpu.memory_space<vmem_shared>>
        tpu.wait_dma2 semaphore(%run_scoped3A : memref<!tpu.dma_semaphore, #tpu.memory_space<semaphore_mem>>) src(%arg11 : memref<512x32xf32, #tpu.memory_space<vmem>>) dst(%dma_wait3A_57 : memref<512x32xf32, #tpu.memory_space<vmem_shared>>)
        tpu.yield
      }) : () -> ()
    }
    %scan3A_12 = arith.constant 4 : i32
    %barrier3A = arith.constant 0 : index
    tpu.barrier barrier_id(%barrier3A)
    %mul3A_13 = arith.constant 7168 : i32
    %mul3A_14 = arith.muli %arg1, %mul3A_13 : i32
    %add3A = arith.constant 0 : i32
    %add3A_15 = arith.addi %mul3A_14, %add3A : i32
    %dma_start3A = tpu.memref_slice %arg4[%add3A_15] : memref<114688xi32, #tpu.memory_space<hbm>> -> memref<512xi32, #tpu.memory_space<hbm>>
    %dma_start3A_16 = tpu.memref_slice %arg4[%add3A_15] : memref<114688xi32, #tpu.memory_space<hbm>> -> memref<512xi32, #tpu.memory_space<hbm>>
    tpu.enqueue_dma source(%dma_start3A_16 : memref<512xi32, #tpu.memory_space<hbm>>) target(%arg7 : memref<512xi32, #tpu.memory_space<vmem>>) target_semaphore(%arg14 : memref<!tpu.dma_semaphore, #tpu.memory_space<semaphore_mem>>)
    %dma_start3A_17 = tpu.memref_slice %arg5[%add3A_15] : memref<114688xi32, #tpu.memory_space<hbm>> -> memref<512xi32, #tpu.memory_space<hbm>>
    %dma_start3A_18 = tpu.memref_slice %arg5[%add3A_15] : memref<114688xi32, #tpu.memory_space<hbm>> -> memref<512xi32, #tpu.memory_space<hbm>>
    tpu.enqueue_dma source(%dma_start3A_18 : memref<512xi32, #tpu.memory_space<hbm>>) target(%arg9 : memref<512xi32, #tpu.memory_space<vmem>>) target_semaphore(%arg14 : memref<!tpu.dma_semaphore, #tpu.memory_space<semaphore_mem>>)
    %dma_wait3A = arith.constant 0 : i32
    %dma_wait3A_19 = tpu.memref_slice %arg4[%dma_wait3A] : memref<114688xi32, #tpu.memory_space<hbm>> -> memref<512xi32, #tpu.memory_space<hbm>>
    %dma_wait3A_20 = arith.constant 0 : i32
    %dma_wait3A_21 = tpu.memref_slice %arg4[%dma_wait3A_20] : memref<114688xi32, #tpu.memory_space<hbm>> -> memref<512xi32, #tpu.memory_space<hbm>>
    tpu.wait_dma2 semaphore(%arg14 : memref<!tpu.dma_semaphore, #tpu.memory_space<semaphore_mem>>) src(%dma_wait3A_21 : memref<512xi32, #tpu.memory_space<hbm>>) dst(%arg7 : memref<512xi32, #tpu.memory_space<vmem>>)
    %dma_wait3A_22 = arith.constant 0 : i32
    %dma_wait3A_23 = tpu.memref_slice %arg5[%dma_wait3A_22] : memref<114688xi32, #tpu.memory_space<hbm>> -> memref<512xi32, #tpu.memory_space<hbm>>
    %dma_wait3A_24 = arith.constant 0 : i32
    %dma_wait3A_25 = tpu.memref_slice %arg5[%dma_wait3A_24] : memref<114688xi32, #tpu.memory_space<hbm>> -> memref<512xi32, #tpu.memory_space<hbm>>
    tpu.wait_dma2 semaphore(%arg14 : memref<!tpu.dma_semaphore, #tpu.memory_space<semaphore_mem>>) src(%dma_wait3A_25 : memref<512xi32, #tpu.memory_space<hbm>>) dst(%arg9 : memref<512xi32, #tpu.memory_space<vmem>>)
    %eq3A = arith.constant 0 : i32
    %eq3A_26 = arith.cmpi eq, %arg0, %eq3A : i32
    %convert_element_type3A = arith.extui %eq3A_26 : i1 to i32
    %cond3A = arith.constant 0 : i32
    %cond3A_27 = arith.cmpi ne, %convert_element_type3A, %cond3A : i32
    scf.if %cond3A_27 {
      %dma_start3A_46 = arith.constant 0 : i32
      %dma_start3A_47 = arith.constant 0 : i32
      %dma_start3A_48 = tpu.memref_slice %arg2[%dma_start3A_46, %dma_start3A_47] : memref<100000x32xf32, #tpu.memory_space<hbm>> -> memref<100000x32xf32, #tpu.memory_space<hbm>>
      tpu.enqueue_indirect_dma source(%dma_start3A_48 : memref<100000x32xf32, #tpu.memory_space<hbm>>) target(%arg11 : memref<512x32xf32, #tpu.memory_space<vmem>>) offsets(%arg7 : memref<512xi32, #tpu.memory_space<vmem>>) semaphore(%arg15 : memref<!tpu.dma_semaphore, #tpu.memory_space<semaphore_mem>>)
    } else {
    }
    %eq3A_28 = arith.constant 1 : i32
    %eq3A_29 = arith.cmpi eq, %arg0, %eq3A_28 : i32
    %convert_element_type3A_30 = arith.extui %eq3A_29 : i1 to i32
    %cond3A_31 = arith.constant 0 : i32
    %cond3A_32 = arith.cmpi ne, %convert_element_type3A_30, %cond3A_31 : i32
    scf.if %cond3A_32 {
      %dma_start3A_46 = arith.constant 0 : i32
      %dma_start3A_47 = arith.constant 0 : i32
      %dma_start3A_48 = tpu.memref_slice %arg3[%dma_start3A_46, %dma_start3A_47] : memref<100000x32xf32, #tpu.memory_space<hbm>> -> memref<100000x32xf32, #tpu.memory_space<hbm>>
      tpu.enqueue_indirect_dma source(%dma_start3A_48 : memref<100000x32xf32, #tpu.memory_space<hbm>>) target(%arg11 : memref<512x32xf32, #tpu.memory_space<vmem>>) offsets(%arg7 : memref<512xi32, #tpu.memory_space<vmem>>) semaphore(%arg15 : memref<!tpu.dma_semaphore, #tpu.memory_space<semaphore_mem>>)
    } else {
    }
    %scan3A_33 = arith.constant 0 : i32
    %scan3A_34 = arith.constant 0 : i32
    %scan3A_35 = arith.constant 7 : i32
    %scan3A_36 = arith.addi %scan3A_34, %scan3A_35 : i32
    %scan3A_37 = arith.constant 1 : i32
    scf.for %scan3A_46 = %scan3A_34 to %scan3A_36 step %scan3A_37  : i32 {
      %mul3A_47 = arith.constant 2 : i32
      %mul3A_48 = arith.muli %scan3A_46, %mul3A_47 : i32
      %add3A_49 = arith.constant 0 : i32
      %add3A_50 = arith.addi %mul3A_48, %add3A_49 : i32
      %add3A_51 = arith.constant 1 : i32
      %add3A_52 = arith.addi %add3A_50, %add3A_51 : i32
      %lt3A = arith.constant 14 : i32
      %lt3A_53 = arith.cmpi slt, %add3A_52, %lt3A : i32
      %convert_element_type3A_54 = arith.extui %lt3A_53 : i1 to i32
      %cond3A_55 = arith.constant 0 : i32
      %cond3A_56 = arith.cmpi ne, %convert_element_type3A_54, %cond3A_55 : i32
      scf.if %cond3A_56 {
        %add3A_86 = arith.constant 1 : i32
        %add3A_87 = arith.addi %add3A_50, %add3A_86 : i32
        %mul3A_88 = arith.constant 512 : i32
        %mul3A_89 = arith.muli %add3A_87, %mul3A_88 : i32
        %add3A_90 = arith.addi %mul3A_14, %mul3A_89 : i32
        %dma_start3A_91 = tpu.memref_slice %arg4[%add3A_90] : memref<114688xi32, #tpu.memory_space<hbm>> -> memref<512xi32, #tpu.memory_space<hbm>>
        %dma_start3A_92 = tpu.memref_slice %arg4[%add3A_90] : memref<114688xi32, #tpu.memory_space<hbm>> -> memref<512xi32, #tpu.memory_space<hbm>>
        tpu.enqueue_dma source(%dma_start3A_92 : memref<512xi32, #tpu.memory_space<hbm>>) target(%arg8 : memref<512xi32, #tpu.memory_space<vmem>>) target_semaphore(%arg14 : memref<!tpu.dma_semaphore, #tpu.memory_space<semaphore_mem>>)
        %dma_start3A_93 = tpu.memref_slice %arg5[%add3A_90] : memref<114688xi32, #tpu.memory_space<hbm>> -> memref<512xi32, #tpu.memory_space<hbm>>
        %dma_start3A_94 = tpu.memref_slice %arg5[%add3A_90] : memref<114688xi32, #tpu.memory_space<hbm>> -> memref<512xi32, #tpu.memory_space<hbm>>
        tpu.enqueue_dma source(%dma_start3A_94 : memref<512xi32, #tpu.memory_space<hbm>>) target(%arg10 : memref<512xi32, #tpu.memory_space<vmem>>) target_semaphore(%arg14 : memref<!tpu.dma_semaphore, #tpu.memory_space<semaphore_mem>>)
        %dma_wait3A_95 = arith.constant 0 : i32
        %dma_wait3A_96 = tpu.memref_slice %arg4[%dma_wait3A_95] : memref<114688xi32, #tpu.memory_space<hbm>> -> memref<512xi32, #tpu.memory_space<hbm>>
        %dma_wait3A_97 = arith.constant 0 : i32
        %dma_wait3A_98 = tpu.memref_slice %arg4[%dma_wait3A_97] : memref<114688xi32, #tpu.memory_space<hbm>> -> memref<512xi32, #tpu.memory_space<hbm>>
        tpu.wait_dma2 semaphore(%arg14 : memref<!tpu.dma_semaphore, #tpu.memory_space<semaphore_mem>>) src(%dma_wait3A_98 : memref<512xi32, #tpu.memory_space<hbm>>) dst(%arg7 : memref<512xi32, #tpu.memory_space<vmem>>)
        %dma_wait3A_99 = arith.constant 0 : i32
        %dma_wait3A_100 = tpu.memref_slice %arg5[%dma_wait3A_99] : memref<114688xi32, #tpu.memory_space<hbm>> -> memref<512xi32, #tpu.memory_space<hbm>>
        %dma_wait3A_101 = arith.constant 0 : i32
        %dma_wait3A_102 = tpu.memref_slice %arg5[%dma_wait3A_101] : memref<114688xi32, #tpu.memory_space<hbm>> -> memref<512xi32, #tpu.memory_space<hbm>>
        tpu.wait_dma2 semaphore(%arg14 : memref<!tpu.dma_semaphore, #tpu.memory_space<semaphore_mem>>) src(%dma_wait3A_102 : memref<512xi32, #tpu.memory_space<hbm>>) dst(%arg9 : memref<512xi32, #tpu.memory_space<vmem>>)
        %eq3A_103 = arith.constant 0 : i32
        %eq3A_104 = arith.cmpi eq, %arg0, %eq3A_103 : i32
        %convert_element_type3A_105 = arith.extui %eq3A_104 : i1 to i32
        %cond3A_106 = arith.constant 0 : i32
        %cond3A_107 = arith.cmpi ne, %convert_element_type3A_105, %cond3A_106 : i32
        scf.if %cond3A_107 {
          %dma_start3A_113 = arith.constant 0 : i32
          %dma_start3A_114 = arith.constant 0 : i32
          %dma_start3A_115 = tpu.memref_slice %arg2[%dma_start3A_113, %dma_start3A_114] : memref<100000x32xf32, #tpu.memory_space<hbm>> -> memref<100000x32xf32, #tpu.memory_space<hbm>>
          tpu.enqueue_indirect_dma source(%dma_start3A_115 : memref<100000x32xf32, #tpu.memory_space<hbm>>) target(%arg12 : memref<512x32xf32, #tpu.memory_space<vmem>>) offsets(%arg8 : memref<512xi32, #tpu.memory_space<vmem>>) semaphore(%arg15 : memref<!tpu.dma_semaphore, #tpu.memory_space<semaphore_mem>>)
        } else {
        }
        %eq3A_108 = arith.constant 1 : i32
        %eq3A_109 = arith.cmpi eq, %arg0, %eq3A_108 : i32
        %convert_element_type3A_110 = arith.extui %eq3A_109 : i1 to i32
        %cond3A_111 = arith.constant 0 : i32
        %cond3A_112 = arith.cmpi ne, %convert_element_type3A_110, %cond3A_111 : i32
        scf.if %cond3A_112 {
          %dma_start3A_113 = arith.constant 0 : i32
          %dma_start3A_114 = arith.constant 0 : i32
          %dma_start3A_115 = tpu.memref_slice %arg3[%dma_start3A_113, %dma_start3A_114] : memref<100000x32xf32, #tpu.memory_space<hbm>> -> memref<100000x32xf32, #tpu.memory_space<hbm>>
          tpu.enqueue_indirect_dma source(%dma_start3A_115 : memref<100000x32xf32, #tpu.memory_space<hbm>>) target(%arg12 : memref<512x32xf32, #tpu.memory_space<vmem>>) offsets(%arg8 : memref<512xi32, #tpu.memory_space<vmem>>) semaphore(%arg15 : memref<!tpu.dma_semaphore, #tpu.memory_space<semaphore_mem>>)
        } else {
        }
      } else {
      }
      %dma_wait3A_57 = arith.constant 0 : i32
      %dma_wait3A_58 = arith.constant 0 : i32
      %dma_wait3A_59 = tpu.memref_slice %arg2[%dma_wait3A_57, %dma_wait3A_58] : memref<100000x32xf32, #tpu.memory_space<hbm>> -> memref<100000x32xf32, #tpu.memory_space<hbm>>
      tpu.wait_indirect_dma semaphore(%arg15 : memref<!tpu.dma_semaphore, #tpu.memory_space<semaphore_mem>>) src(%dma_wait3A_59 : memref<100000x32xf32, #tpu.memory_space<hbm>>) dst(%arg11 : memref<512x32xf32, #tpu.memory_space<vmem>>)
      %dma_start3A_60 = arith.constant 0 : i32
      %dma_start3A_61 = arith.constant 0 : i32
      %dma_start3A_62 = tpu.memref_slice %arg13[%dma_start3A_60, %dma_start3A_61] : memref<32768x32xf32, #tpu.memory_space<vmem_shared>> -> memref<32768x32xf32, #tpu.memory_space<vmem_shared>>
      tpu.enqueue_indirect_dma source(%arg11 : memref<512x32xf32, #tpu.memory_space<vmem>>) target(%dma_start3A_62 : memref<32768x32xf32, #tpu.memory_space<vmem_shared>>) offsets(%arg9 : memref<512xi32, #tpu.memory_space<vmem>>) semaphore(%arg16 : memref<!tpu.dma_semaphore, #tpu.memory_space<semaphore_mem>>) {add = true}
      %dma_wait3A_63 = arith.constant 0 : i32
      %dma_wait3A_64 = arith.constant 0 : i32
      %dma_wait3A_65 = tpu.memref_slice %arg13[%dma_wait3A_63, %dma_wait3A_64] : memref<32768x32xf32, #tpu.memory_space<vmem_shared>> -> memref<32768x32xf32, #tpu.memory_space<vmem_shared>>
      tpu.wait_indirect_dma semaphore(%arg16 : memref<!tpu.dma_semaphore, #tpu.memory_space<semaphore_mem>>) src(%arg11 : memref<512x32xf32, #tpu.memory_space<vmem>>) dst(%dma_wait3A_65 : memref<32768x32xf32, #tpu.memory_space<vmem_shared>>)
      %mul3A_66 = arith.constant 2 : i32
      %mul3A_67 = arith.muli %scan3A_46, %mul3A_66 : i32
      %add3A_68 = arith.constant 1 : i32
      %add3A_69 = arith.addi %mul3A_67, %add3A_68 : i32
      %add3A_70 = arith.constant 1 : i32
      %add3A_71 = arith.addi %add3A_69, %add3A_70 : i32
      %lt3A_72 = arith.constant 14 : i32
      %lt3A_73 = arith.cmpi slt, %add3A_71, %lt3A_72 : i32
      %convert_element_type3A_74 = arith.extui %lt3A_73 : i1 to i32
      %cond3A_75 = arith.constant 0 : i32
      %cond3A_76 = arith.cmpi ne, %convert_element_type3A_74, %cond3A_75 : i32
      scf.if %cond3A_76 {
        %add3A_86 = arith.constant 1 : i32
        %add3A_87 = arith.addi %add3A_69, %add3A_86 : i32
        %mul3A_88 = arith.constant 512 : i32
        %mul3A_89 = arith.muli %add3A_87, %mul3A_88 : i32
        %add3A_90 = arith.addi %mul3A_14, %mul3A_89 : i32
        %dma_start3A_91 = tpu.memref_slice %arg4[%add3A_90] : memref<114688xi32, #tpu.memory_space<hbm>> -> memref<512xi32, #tpu.memory_space<hbm>>
        %dma_start3A_92 = tpu.memref_slice %arg4[%add3A_90] : memref<114688xi32, #tpu.memory_space<hbm>> -> memref<512xi32, #tpu.memory_space<hbm>>
        tpu.enqueue_dma source(%dma_start3A_92 : memref<512xi32, #tpu.memory_space<hbm>>) target(%arg7 : memref<512xi32, #tpu.memory_space<vmem>>) target_semaphore(%arg14 : memref<!tpu.dma_semaphore, #tpu.memory_space<semaphore_mem>>)
        %dma_start3A_93 = tpu.memref_slice %arg5[%add3A_90] : memref<114688xi32, #tpu.memory_space<hbm>> -> memref<512xi32, #tpu.memory_space<hbm>>
        %dma_start3A_94 = tpu.memref_slice %arg5[%add3A_90] : memref<114688xi32, #tpu.memory_space<hbm>> -> memref<512xi32, #tpu.memory_space<hbm>>
        tpu.enqueue_dma source(%dma_start3A_94 : memref<512xi32, #tpu.memory_space<hbm>>) target(%arg9 : memref<512xi32, #tpu.memory_space<vmem>>) target_semaphore(%arg14 : memref<!tpu.dma_semaphore, #tpu.memory_space<semaphore_mem>>)
        %dma_wait3A_95 = arith.constant 0 : i32
        %dma_wait3A_96 = tpu.memref_slice %arg4[%dma_wait3A_95] : memref<114688xi32, #tpu.memory_space<hbm>> -> memref<512xi32, #tpu.memory_space<hbm>>
        %dma_wait3A_97 = arith.constant 0 : i32
        %dma_wait3A_98 = tpu.memref_slice %arg4[%dma_wait3A_97] : memref<114688xi32, #tpu.memory_space<hbm>> -> memref<512xi32, #tpu.memory_space<hbm>>
        tpu.wait_dma2 semaphore(%arg14 : memref<!tpu.dma_semaphore, #tpu.memory_space<semaphore_mem>>) src(%dma_wait3A_98 : memref<512xi32, #tpu.memory_space<hbm>>) dst(%arg7 : memref<512xi32, #tpu.memory_space<vmem>>)
        %dma_wait3A_99 = arith.constant 0 : i32
        %dma_wait3A_100 = tpu.memref_slice %arg5[%dma_wait3A_99] : memref<114688xi32, #tpu.memory_space<hbm>> -> memref<512xi32, #tpu.memory_space<hbm>>
        %dma_wait3A_101 = arith.constant 0 : i32
        %dma_wait3A_102 = tpu.memref_slice %arg5[%dma_wait3A_101] : memref<114688xi32, #tpu.memory_space<hbm>> -> memref<512xi32, #tpu.memory_space<hbm>>
        tpu.wait_dma2 semaphore(%arg14 : memref<!tpu.dma_semaphore, #tpu.memory_space<semaphore_mem>>) src(%dma_wait3A_102 : memref<512xi32, #tpu.memory_space<hbm>>) dst(%arg9 : memref<512xi32, #tpu.memory_space<vmem>>)
        %eq3A_103 = arith.constant 0 : i32
        %eq3A_104 = arith.cmpi eq, %arg0, %eq3A_103 : i32
        %convert_element_type3A_105 = arith.extui %eq3A_104 : i1 to i32
        %cond3A_106 = arith.constant 0 : i32
        %cond3A_107 = arith.cmpi ne, %convert_element_type3A_105, %cond3A_106 : i32
        scf.if %cond3A_107 {
          %dma_start3A_113 = arith.constant 0 : i32
          %dma_start3A_114 = arith.constant 0 : i32
          %dma_start3A_115 = tpu.memref_slice %arg2[%dma_start3A_113, %dma_start3A_114] : memref<100000x32xf32, #tpu.memory_space<hbm>> -> memref<100000x32xf32, #tpu.memory_space<hbm>>
          tpu.enqueue_indirect_dma source(%dma_start3A_115 : memref<100000x32xf32, #tpu.memory_space<hbm>>) target(%arg11 : memref<512x32xf32, #tpu.memory_space<vmem>>) offsets(%arg7 : memref<512xi32, #tpu.memory_space<vmem>>) semaphore(%arg15 : memref<!tpu.dma_semaphore, #tpu.memory_space<semaphore_mem>>)
        } else {
        }
        %eq3A_108 = arith.constant 1 : i32
        %eq3A_109 = arith.cmpi eq, %arg0, %eq3A_108 : i32
        %convert_element_type3A_110 = arith.extui %eq3A_109 : i1 to i32
        %cond3A_111 = arith.constant 0 : i32
        %cond3A_112 = arith.cmpi ne, %convert_element_type3A_110, %cond3A_111 : i32
        scf.if %cond3A_112 {
          %dma_start3A_113 = arith.constant 0 : i32
          %dma_start3A_114 = arith.constant 0 : i32
          %dma_start3A_115 = tpu.memref_slice %arg3[%dma_start3A_113, %dma_start3A_114] : memref<100000x32xf32, #tpu.memory_space<hbm>> -> memref<100000x32xf32, #tpu.memory_space<hbm>>
          tpu.enqueue_indirect_dma source(%dma_start3A_115 : memref<100000x32xf32, #tpu.memory_space<hbm>>) target(%arg11 : memref<512x32xf32, #tpu.memory_space<vmem>>) offsets(%arg7 : memref<512xi32, #tpu.memory_space<vmem>>) semaphore(%arg15 : memref<!tpu.dma_semaphore, #tpu.memory_space<semaphore_mem>>)
        } else {
        }
      } else {
      }
      %dma_wait3A_77 = arith.constant 0 : i32
      %dma_wait3A_78 = arith.constant 0 : i32
      %dma_wait3A_79 = tpu.memref_slice %arg2[%dma_wait3A_77, %dma_wait3A_78] : memref<100000x32xf32, #tpu.memory_space<hbm>> -> memref<100000x32xf32, #tpu.memory_space<hbm>>
      tpu.wait_indirect_dma semaphore(%arg15 : memref<!tpu.dma_semaphore, #tpu.memory_space<semaphore_mem>>) src(%dma_wait3A_79 : memref<100000x32xf32, #tpu.memory_space<hbm>>) dst(%arg12 : memref<512x32xf32, #tpu.memory_space<vmem>>)
      %dma_start3A_80 = arith.constant 0 : i32
      %dma_start3A_81 = arith.constant 0 : i32
      %dma_start3A_82 = tpu.memref_slice %arg13[%dma_start3A_80, %dma_start3A_81] : memref<32768x32xf32, #tpu.memory_space<vmem_shared>> -> memref<32768x32xf32, #tpu.memory_space<vmem_shared>>
      tpu.enqueue_indirect_dma source(%arg12 : memref<512x32xf32, #tpu.memory_space<vmem>>) target(%dma_start3A_82 : memref<32768x32xf32, #tpu.memory_space<vmem_shared>>) offsets(%arg10 : memref<512xi32, #tpu.memory_space<vmem>>) semaphore(%arg16 : memref<!tpu.dma_semaphore, #tpu.memory_space<semaphore_mem>>) {add = true}
      %dma_wait3A_83 = arith.constant 0 : i32
      %dma_wait3A_84 = arith.constant 0 : i32
      %dma_wait3A_85 = tpu.memref_slice %arg13[%dma_wait3A_83, %dma_wait3A_84] : memref<32768x32xf32, #tpu.memory_space<vmem_shared>> -> memref<32768x32xf32, #tpu.memory_space<vmem_shared>>
      tpu.wait_indirect_dma semaphore(%arg16 : memref<!tpu.dma_semaphore, #tpu.memory_space<semaphore_mem>>) src(%arg12 : memref<512x32xf32, #tpu.memory_space<vmem>>) dst(%dma_wait3A_85 : memref<32768x32xf32, #tpu.memory_space<vmem_shared>>)
    }
    %scan3A_38 = arith.constant 7 : i32
    %barrier3A_39 = arith.constant 0 : index
    tpu.barrier barrier_id(%barrier3A_39)
    %scan3A_40 = arith.constant 0 : i32
    %scan3A_41 = arith.constant 0 : i32
    %scan3A_42 = arith.constant 4 : i32
    %scan3A_43 = arith.addi %scan3A_41, %scan3A_42 : i32
    %scan3A_44 = arith.constant 1 : i32
    scf.for %scan3A_46 = %scan3A_41 to %scan3A_43 step %scan3A_44  : i32 {
      %mul3A_47 = arith.constant 512 : i32
      %mul3A_48 = arith.muli %scan3A_46, %mul3A_47 : i32
      %add3A_49 = arith.addi %mul3A_0, %mul3A_48 : i32
      "tpu.region"() ({
        %run_scoped3A = tpu.sem_alloc : memref<!tpu.dma_semaphore, #tpu.memory_space<semaphore_mem>>
        %dma_start3A_50 = arith.constant 0 : i32
        %dma_start3A_51 = tpu.memref_slice %arg6[%arg0, %add3A_49, %dma_start3A_50] : memref<2x32768x32xf32, #tpu.memory_space<hbm>> -> memref<1x512x32xf32, #tpu.memory_space<hbm>>
        %dma_start3A_52 = tpu.memref_squeeze %dma_start3A_51 : memref<1x512x32xf32, #tpu.memory_space<hbm>> -> memref<512x32xf32, #tpu.memory_space<hbm>>
        %dma_start3A_53 = arith.constant 0 : i32
        %dma_start3A_54 = tpu.memref_slice %arg13[%add3A_49, %dma_start3A_53] : memref<32768x32xf32, #tpu.memory_space<vmem_shared>> -> memref<512x32xf32, #tpu.memory_space<vmem_shared>>
        tpu.enqueue_dma source(%dma_start3A_54 : memref<512x32xf32, #tpu.memory_space<vmem_shared>>) target(%dma_start3A_52 : memref<512x32xf32, #tpu.memory_space<hbm>>) target_semaphore(%run_scoped3A : memref<!tpu.dma_semaphore, #tpu.memory_space<semaphore_mem>>)
        %dma_wait3A_55 = arith.constant 0 : i32
        %dma_wait3A_56 = tpu.memref_slice %arg6[%arg0, %add3A_49, %dma_wait3A_55] : memref<2x32768x32xf32, #tpu.memory_space<hbm>> -> memref<1x512x32xf32, #tpu.memory_space<hbm>>
        %dma_wait3A_57 = tpu.memref_squeeze %dma_wait3A_56 : memref<1x512x32xf32, #tpu.memory_space<hbm>> -> memref<512x32xf32, #tpu.memory_space<hbm>>
        %dma_wait3A_58 = arith.constant 0 : i32
        %dma_wait3A_59 = tpu.memref_slice %arg13[%add3A_49, %dma_wait3A_58] : memref<32768x32xf32, #tpu.memory_space<vmem_shared>> -> memref<512x32xf32, #tpu.memory_space<vmem_shared>>
        tpu.wait_dma2 semaphore(%run_scoped3A : memref<!tpu.dma_semaphore, #tpu.memory_space<semaphore_mem>>) src(%dma_wait3A_59 : memref<512x32xf32, #tpu.memory_space<vmem_shared>>) dst(%dma_wait3A_57 : memref<512x32xf32, #tpu.memory_space<hbm>>)
        tpu.yield
      }) : () -> ()
    }
    %scan3A_45 = arith.constant 4 : i32
    return
  }
}

</mosaic_0001>

<sc_bundles>
// kernel: _segsum.3.cloned.1.call-start
scs
__scs_entry_jumppad:
0x0: {  	(pc) =	sbr.rel $0x88, $3  }
0x1: {  	(tag) =	ssettag $0x0;
	lr =	simm.s32 $0x1  }
0x2: {  	[smem:$0x3F9D] =	sst lr;
	_ =	strace $0xD0000000  }
0x3: {  	_ = 	snop  }
0x4: {  	_ = 	snop  }
0x5: {  	_ = 	snop  }
0x6: {  	_ = 	snop  }
0x7: {  	_ = 	snop  }
__scs_overlays_trampoline_lowered:
0x8: {  	[smem:$0x3FAC] =	sst s0  }
0x9: {  	[smem:$0x3FAD] =	sst s1  }
0xa: {  	[smem:$0x3FAE] =	sst s2  }
0xb: {  	[smem:$0x3FAF] =	sst s3  }
0xc: {  	[smem:$0x3FB0] =	sst s4  }
0xd: {  	[smem:$0x3FB1] =	sst s5  }
0xe: {  	[smem:$0x3FB2] =	sst s6  }
0xf: {  	[smem:$0x3FB3] =	sst s7  }
0x10: {  	[smem:$0x3FB4] =	sst s8  }
0x11: {  	[smem:$0x3FB5] =	sst s9;
	s0 =	simm.s32 @!p0 $0x0  }
0x12: {  	s1 =	sld [smem:$0x3F9B];
	s0 =	simm.s32 @p0 $0x1  }
0x13: {  	[smem:$0x3FB6] =	sst s0;
	s0 =	simm.s32 @!p1 $0x0  }
0x14: {  	s2 =	sld [smem:$0x3F9A];
	s0 =	simm.s32 @p1 $0x1  }
0x15: {  	[smem:$0x3FB7] =	sst s0;
	s0 =	simm.s32 @!p2 $0x0  }
0x16: {  	s3 =	sld [smem:$0x3FDB];
	s0 =	simm.s32 @p2 $0x1  }
0x17: {  	s4 =	simm.s32 $0x1BF5;
	[smem:$0x3FB9] =	sst s0  }
0x18: {  	s0 =	sld [smem:$0x3F9C];
	_ =	swait.ge [sflag:s4], $0x0  }
0x19: {  	s7 =	sld [smem:$0x3F9D]  }
0x1a: {  	s8 =	sadd.s32 $0xFFFFE003, lr  }
0x1b: {  	s9 =	sadd.s32 $0xFFFFFEF7, lr;
	s5 =	simm.s32 $0xFFFFFFFF;
	p2 =	slt.u32 s8, $0xFFFFF086  }
0x1c: {  	p1 =	slt.u32 s9, $0xF7A;
	s5 =	simm.s32 @!p2 $0x0  }
0x1d: {  	s5 =	simm.s32 @p1 $0x1;
	p0 =	seq.s32 s7, s2  }
0x1e: {  	s7 =	smul.u32 @!p0 $0xF7A, s2;
	p2 =	seq.s32 @!p0 s5, $0x0  }
0x1f: {  	s9 =	smul.u32 $0xF7A, s1;
	s8 =	simm.s32 @!p0 $0x1BF5;
	p2 =	por !p2, p0  }
0x20: {  	[sflag:s8] =	ssyncset.s32 @!p0 $0xFFFFF086;
	s6 =	sadd.s32 @!p0 s3, s7;
	s7 =	simm.s32 @!p0 $0x108  }
0x21: {  	s3 =	sadd.s32 s3, s9;
	s6 =	sadd.s32 @!p0 $0x88, s6;
	s7 =	simm.s32 @p2 $0x1082  }
0x22: {  	[simem:s7], [sflag:s8] =	dma.local @!p0 [hbm:s6], $0xF7A  }
0x23: {  	s9 =	sor.u32 $0xD0000000, s2;
	s6 =	simm.s32 $0x108;
	_ =	swait.ge @!p0 [sflag:s8], $0x0  }
0x24: {  	s3 =	sadd.s32 $0x88, s3;
	s6 =	simm.s32 @!p1 $0x1082;
	[sflag:s4] =	ssyncset.s32 $0xFFFFF086  }
0x25: {  	[simem:s6], [sflag:s4] =	dma.local [hbm:s3], $0xF7A  }
0x26: {  	[smem:$0x3F9D] =	sst s1;
	(tag) =	ssettag s2;
	_ =	strace s9  }
0x27: {  	s1 =	sld [smem:$0x3FAD]  }
0x28: {  	s2 =	sld [smem:$0x3FAE]  }
0x29: {  	s4 =	sld [smem:$0x3FB0]  }
0x2a: {  	p0 =	seq.s32 s5, $0x0;
	s5 =	sld [smem:$0x3FB1]  }
0x2b: {  	s6 =	sld [smem:$0x3FB2]  }
0x2c: {  	s7 =	sld [smem:$0x3FB3]  }
0x2d: {  	s3 =	simm.s32 $0x108;
	s8 =	sld [smem:$0x3FB4]  }
0x2e: {  	s3 =	simm.s32 @!p0 $0x1082;
	s9 =	sld [smem:$0x3FB5]  }
0x2f: {  	lr =	sadd.s32 s0, s3;
	s0 =	sld [smem:$0x3FAC]  }
0x30: {  	s3 =	sld [smem:$0x3FAF]  }
0x31: {  	[smem:$0x3FB8] =	sst s10  }
0x32: {  	s10 =	sld [smem:$0x3FB6];
	_ =	sdelay $0x3  }
0x33: {  	p0 =	seq.s32 s10, $0x1;
	s10 =	sld [smem:$0x3FB8];
	_ =	sdelay $0x3  }
0x34: {  	[smem:$0x3FB8] =	sst s10  }
0x35: {  	s10 =	sld [smem:$0x3FB7];
	_ =	sdelay $0x3  }
0x36: {  	p1 =	seq.s32 s10, $0x1;
	s10 =	sld [smem:$0x3FB8];
	_ =	sdelay $0x3  }
0x37: {  	[smem:$0x3FB8] =	sst s10  }
0x38: {  	s10 =	sld [smem:$0x3FB9]  }
0x39: {  	_ = 	snop;
	(pc) =	sbr.ind lr, $3  }
0x3a: {  	_ = 	snop  }
0x3b: {  	_ = 	snop  }
0x3c: {  	p2 =	seq.s32 s10, $0x1;
	s10 =	sld [smem:$0x3FB8]  }
0x3d: {  	_ =	shalt  }
0x3e: {  	_ =	shalt  }
0x3f: {  	_ =	shalt  }
0x40: {  	_ =	shalt  }
0x41: {  	_ =	shalt  }
0x42: {  	_ =	shalt  }
0x43: {  	_ =	shalt  }
0x44: {  	_ =	shalt  }
0x45: {  	_ =	shalt  }
0x46: {  	_ =	shalt  }
0x47: {  	_ =	shalt  }
0x48: {  	_ =	shalt  }
0x49: {  	_ =	shalt  }
0x4a: {  	_ =	shalt  }
0x4b: {  	_ =	shalt  }
0x4c: {  	_ =	shalt  }
0x4d: {  	_ =	shalt  }
0x4e: {  	_ =	shalt  }
0x4f: {  	_ =	shalt  }
0x50: {  	_ =	shalt  }
0x51: {  	_ =	shalt  }
0x52: {  	_ =	shalt  }
0x53: {  	_ =	shalt  }
0x54: {  	_ =	shalt  }
0x55: {  	_ =	shalt  }
0x56: {  	_ =	shalt  }
0x57: {  	_ =	shalt  }
0x58: {  	_ =	shalt  }
0x59: {  	_ =	shalt  }
0x5a: {  	_ =	shalt  }
0x5b: {  	_ =	shalt  }
0x5c: {  	_ =	shalt  }
0x5d: {  	_ =	shalt  }
0x5e: {  	_ =	shalt  }
0x5f: {  	_ =	shalt  }
0x60: {  	_ =	shalt  }
0x61: {  	_ =	shalt  }
0x62: {  	_ =	shalt  }
0x63: {  	_ =	shalt  }
0x64: {  	_ =	shalt  }
0x65: {  	_ =	shalt  }
0x66: {  	_ =	shalt  }
0x67: {  	_ =	shalt  }
0x68: {  	_ =	shalt  }
0x69: {  	_ =	shalt  }
0x6a: {  	_ =	shalt  }
0x6b: {  	_ =	shalt  }
0x6c: {  	_ =	shalt  }
0x6d: {  	_ =	shalt  }
0x6e: {  	_ =	shalt  }
0x6f: {  	_ =	shalt  }
0x70: {  	_ =	shalt  }
0x71: {  	_ =	shalt  }
0x72: {  	_ =	shalt  }
0x73: {  	_ =	shalt  }
0x74: {  	_ =	shalt  }
0x75: {  	_ =	shalt  }
0x76: {  	_ =	shalt  }
0x77: {  	_ =	shalt  }
0x78: {  	_ =	shalt  }
0x79: {  	_ =	shalt  }
0x7a: {  	_ =	shalt  }
0x7b: {  	_ =	shalt  }
0x7c: {  	_ =	shalt  }
0x7d: {  	_ =	shalt  }
0x7e: {  	_ =	shalt  }
0x7f: {  	_ =	shalt  }
0x80: {  	_ =	shalt  }
0x81: {  	_ =	shalt  }
0x82: {  	_ =	shalt  }
0x83: {  	_ =	shalt  }
0x84: {  	_ =	shalt  }
0x85: {  	_ =	shalt  }
0x86: {  	_ =	shalt  }
0x87: {  	_ =	shalt  }
.Lfunc_end0:
.L_simem_size_0:
called_computation_lowered:
.L_overlay_start_0:
0x88: {  	s2 =	sld [smem:$0x3FD9]  }
0x89: {  	s3 =	sld [smem:$0x3FFE];
	_ =	sdelay $0x1  }
0x8a: {  	s1 =	srdreg.scid  }
0x8b: {  	s0 =	sand.u32 $0x1, s1  }
0x8c: {  	s17 =	sshll.u32 s0, $0xA;
	s2 =	sadd.s32 s3, s2  }
0x8d: {  	s2 =	sadd.s32 s2, s17  }
0x8e: {  	[smem:$0x3FC4] =	sst s2  }
0x8f: {  	_ = 	snop  }
0x90: {  	s2 =	sld [smem:$0x3FC7]  }
0x91: {  	s18 =	sld [smem:$0x3FC6];
	(tm) =	ssettm $0x1  }
0x92: {  	s4 =	sld [smem:$0x3FFB];
	_ =	sdelay $0x3  }
0x93: {  	_ =	strace s4  }
0x94: {  	s4 =	sld [smem:$0x3FFC];
	_ =	sdelay $0x3  }
0x95: {  	_ =	strace s4  }
0x96: {  	s4 =	sld [smem:$0x3FFD];
	_ =	sdelay $0x3  }
0x97: {  	_ =	strace s4  }
0x98: {  	_ =	strace $0x8FFFFFFF  }
0x99: {  	s19 =	sld [smem:$0x3FDB];
	_ =	sdelay $0x1  }
0x9a: {  	s5 =	simm.s32 $_scs_section_size  }
0x9b: {  	s6 =	simm.s32 $_size__tile_overlayer_lowered;
	s7 =	simm.s32 $_tile_overlayer_lowered  }
0x9c: {  	s22 =	simm.s32 $0x1BFF;
	s21 =	sshll.u32 s7, $0x1;
	s4 =	sadd.s32 s5, s19  }
0x9d: {  	s8 =	simm.s32 $0x0;
	s20 =	sshll.u32 s6, $0x1;
	s6 =	sadd.s32 s21, s4  }
0x9e: {  	[timem:s8], [sflag:s22] =	dma.local [hbm:s6], s20  }
0x9f: {  	_ =	swait.ge [sflag:s22], s20  }
0xa0: {  	s5 =	ssub.s32 $0x0, s20;
	[sflag:s22] =	ssyncset.done $0x0  }
0xa1: {  	[sflag:s22] =	ssyncadd.s32 s5;
	_ =	sdelay $0x1  }
0xa2: {  	s23 =	simm.s32 $0x1B8B  }
0xa3: {  	_ =	swait.ge [sflag:s23], $0x1  }
0xa4: {  	[sflag:s23] =	ssyncset.done $0x0  }
0xa5: {  	s25 =	simm.s32 $0x1B8E;
	s24 =	sld [smem:$0x3FFE];
	[sflag:s23] =	ssyncadd.s32 $0xFFFFFFFF  }
0xa6: {  	s26 =	simm.s32 $execute0_lowered;
	[smem:$0x3FD2] =	sst s25  }
0xa7: {  	s6 =	sshll.u32 s26, $0x1;
	_ =	strace $0x80000046;
	[dreg:$0x1] =	wrdreg $0xFFFFFFFF  }
0xa8: {  	s28 =	simm.s32 $_size_execute0_lowered;
	s4 =	sadd.s32 s4, s6;
	[dreg:$0x0] =	wrdreg $0x0  }
0xa9: {  	s6 =	sshll.u32 s28, $0x1;
	[dreg:$0x2] =	wrdreg s4  }
0xaa: {  	[dreg:$0x3] =	wrdreg s6  }
0xab: {  	[dreg:$0x4] =	wrdreg $0xC0  }
0xac: {  	_ =	task [dreg:s8], $0x5FFFF  }
0xad: {  	[dreg:$0x1] =	wrdreg $0xFFFFFFFF  }
0xae: {  	[dreg:$0x0] =	wrdreg $0x60  }
0xaf: {  	[dreg:$0x2] =	wrdreg s24  }
0xb0: {  	[dreg:$0x3] =	wrdreg s2  }
0xb1: {  	[dreg:$0x4] =	wrdreg s18  }
0xb2: {  	[dreg:$0x5] =	wrdreg $0x88000  }
0xb3: {  	[dreg:$0x6] =	wrdreg $0x9  }
0xb4: {  	_ =	task.clear_ibuf [dreg:s8], $0x7FFFF;
	_ =	strace $0x90000046  }
0xb5: {  	s29 =	simm.s32 $0x9;
	_ =	strace $0x80000048  }
0xb6: {  	_ =	swait.ge [sflag:s29], $0x1  }
0xb7: {  	[sflag:s29] =	ssyncadd.s32 $0xFFFFFFFF  }
0xb8: {  	_ =	strace $0x90000048  }
0xb9: {  	_ =	sfence  }
0xba: {  	s30 =	sld [smem:$0x0];
	_ =	sdelay $0x2  }
0xbb: {  	s31 =	sshll.u32 s1, $0xD;
	s1 =	sshrl.u32 s1, $0x2  }
0xbc: {  	s3 =	sand.u32 $0x4000, s31;
	s1 =	sadd.s32 s1, s30  }
0xbd: {  	s0 =	sor.u32 s3, s0;
	s1 =	sshll.u32 s1, $0x11  }
0xbe: {  	s0 =	sor.u32 s1, s0  }
0xbf: {  	s0 =	sadd.s32 $0x8F2B, s0  }
0xc0: {  	[sflag:s0] =	ssyncadd.remote.s32 $0x1  }
0xc1: {  	_ =	sfence.sel $0xFFFF  }
0xc2: {  	[dreg:$0x0] =	wrdreg $0xFFFFFFFF;
	(pc) =	sbr.abs _section_cstart, $3  }
0xc3: {  	[dreg:$0x1] =	wrdreg $0xFFFFFFFF  }
0xc4: {  	_ =	task.clear_ibuf [dreg:s8], $0x2FFFF;
	_ =	strace $0x9FFFFFFF  }
0xc5: {  	(tm) =	ssettm $0x7FFFFFFF  }
tec
execute0_lowered:
.L_overlay_start_1:
0x0: {  	(tag) =	ssettag $0x1  }
0x1: {  	s0 =	rddreg [dreg:$0x0]  }
0x2: {  	s2 =	rddreg [dreg:$0x1]  }
0x3: {  	s5 =	rddreg [dreg:$0x2]  }
0x4: {  	s1 =	rddreg [dreg:$0x3];
	s3 =	srdreg.scid  }
0x5: {  	s9 =	stileid.u32;
	s28 =	simm.s32 $0x200;
	s29 =	simm.s32 $0x600  }
0x6: {  	s30 =	simm.s32 $0x4800;
	s31 =	simm.s32 $0x2;
	s6 =	sand.u32 $0x1, s3  }
0x7: {  	s3 =	simm.s32 $0x0;
	s8 =	smul.u32 $0x1C00, s9;
	s16 =	sadd.s32 $0x1600, s0  }
0x8: {  	s17 =	sshll.u32 s9, $0x10;
	s26 =	smul.u32 $0x380, s9;
	s4 =	ssub.s32 $0x2, s6  }
0x9: {  	[smem:$0x7FF] =	sst s3;
	s18 =	sshll.u32 s6, $0x14;
	p0 =	seq.s32 s6, $0x0  }
0xa: {  	s22 =	sor.u32 $0x4000, s17;
	s25 =	sor.u32 $0xC000, s17;
	s7 =	sshrl.u32 s4, $0x1  }
0xb: {  	_ =	strace $0x80000047;
	s12 =	sshrl.u32 s8, $0x3;
	s15 =	sor.u32 s18, s17  }
0xc: {  	s13 =	sor.u32 s18, s22;
	s7 =	ssub.s32 s4, s7;
	s4 =	sadd.s32 s17, s1  }
0xd: {  	s8 =	sadd.s32 s2, s12;
	s10 =	sadd.s32 s5, s12;
	s19 =	sshrl.u32 s15, $0x3  }
0xe: {  	s23 =	sadd.s32 $0x340, s12;
	s14 =	sshrl.u32 s13, $0x3;
	[dreg:$0x5] =	wrdreg s8  }
0xf: {  	[dreg:$0x6] =	wrdreg s10;
	s6 =	sadd.s32 s16, s19;
	s20 =	smax.u32 s7, $0x1  }
0x10: {  	s21 =	sadd.s32 $0x4000, s4;
	s10 =	sadd.s32 $0x8000, s4;
	s11 =	sadd.s32 $0xC000, s4  }
0x11: {  	s19 =	sor.u32 $0x8000, s17;
	s12 =	sadd.s32 s2, s23;
	[dreg:$0x7] =	wrdreg s6  }
0x12: {  	s13 =	sadd.s32 s5, s23;
	s14 =	sadd.s32 s16, s14;
	[dreg:$0x8] =	wrdreg s20  }
0x13: {  	s17 =	sor.u32 s18, s25;
	s7 =	sadd.s32 s25, s1;
	[dreg:$0x9] =	wrdreg s21  }
0x14: {  	s15 =	sor.u32 s18, s19;
	s6 =	sadd.s32 s22, s1;
	s18 =	simm.s32 $0x188000  }
0x15: {  	s17 =	sshrl.u32 s17, $0x3;
	s20 =	simm.s32 $0x800;
	s21 =	simm.s32 $0x4  }
0x16: {  	s22 =	simm.s32 $0x400;
	s25 =	sshrl.u32 s7, $0x3;
	s24 =	sshrl.u32 s15, $0x3  }
0x17: {  	s18 =	simm.s32 @!p0 $0x1E9C00;
	s23 =	sshrl.u32 s6, $0x3;
	s15 =	sadd.s32 s16, s24  }
0x18: {  	s24 =	sadd.s32 s19, s1;
	s16 =	sadd.s32 s16, s17;
	s17 =	sadd.s32 s18, s0  }
0x19: {  	s18 =	sadd.s32 s26, s5;
	s19 =	sadd.s32 s26, s2;
	s26 =	simm.s32 $0x1  }
0x1a: {  	v0 =	vimm.f32 $0.0e+00;
	s0 =	simm.s32 $0x3;
	s2 =	simm.s32 $0x0;
	s24 =	sshrl.u32 s24, $0x3  }
.LBB2_1:
0x1b: {  	s5 =	simm.s32 $0x80;
	s6 =	simm.s32 $0x0  }
.LBB2_2:
0x1c: {  	p0 =	sne.s32 s5, $0xFF80;
	[tilespmem:s6+$0x800] =	vst v0;
	s7 =	smov.u32 s5;
	s5 =	sadd.s32 $0x80, s5  }
.Ltmp0:
0x1d: {  	[tilespmem:s6+$0x810] =	vst v0;
	(pc) =	sbr.rel @p0 .LBB2_2-.Ltmp0, $2  }
0x1e: {  	_ =	sdelay $0x2  }
0x1f: {  	s6 =	sshra.s32 s7, $0x2  }
0x20: {  	[tilespmem:s6+$0x800] =	vst v0  }
0x21: {  	[tilespmem:s6+$0x810] =	vst v0  }
0x22: {  	[spmem:s4] =	stream.linear.scatter [tilespmem:s20], [sflag:$0x4], $0x4000, $0x38;
	[tilespmem:$0x18800] =	vst v63  }
0x23: {  	_ =	swait.ge [sflag:s21], $0x4000  }
0x24: {  	[sflag:s21] =	ssyncset.done $0x0  }
0x25: {  	s5 =	rddreg [dreg:$0x9];
	[sflag:s21] =	ssyncadd.s32 $0xFFFFC000  }
0x26: {  	[spmem:s5] =	stream.linear.scatter [tilespmem:s20], [sflag:$0x4], $0x4000, $0x38;
	[tilespmem:$0x18800] =	vst v63  }
0x27: {  	_ =	swait.ge [sflag:s21], $0x4000  }
0x28: {  	[sflag:s21] =	ssyncset.done $0x0  }
0x29: {  	[sflag:s21] =	ssyncadd.s32 $0xFFFFC000  }
0x2a: {  	[spmem:s10] =	stream.linear.scatter [tilespmem:s20], [sflag:$0x4], $0x4000, $0x38;
	[tilespmem:$0x18800] =	vst v63  }
0x2b: {  	_ =	swait.ge [sflag:s21], $0x4000  }
0x2c: {  	[sflag:s21] =	ssyncset.done $0x0  }
0x2d: {  	[sflag:s21] =	ssyncadd.s32 $0xFFFFC000  }
0x2e: {  	[spmem:s11] =	stream.linear.scatter [tilespmem:s20], [sflag:$0x4], $0x4000, $0x38;
	[tilespmem:$0x18800] =	vst v63  }
0x2f: {  	_ =	swait.ge [sflag:s21], $0x4000  }
0x30: {  	[sflag:s21] =	ssyncset.done $0x0  }
0x31: {  	[sflag:s21] =	ssyncadd.s32 $0xFFFFC000  }
0x32: {  	[bflag:$0x0] =	sbarrier.arrive $0xFFFF  }
0x33: {  	s7 =	rddreg [dreg:$0x5]  }
0x34: {  	[tilespmem:s3], [sflag:$0x1] =	stream.linear.gather [hbm4b:s7+s3], $0x200, $0x38;
	[tilespmem:$0x18800] =	vst v63  }
0x35: {  	s8 =	rddreg [dreg:$0x6]  }
0x36: {  	[tilespmem:s22], [sflag:$0x1] =	stream.linear.gather [hbm4b:s8+s3], $0x200, $0x38;
	[tilespmem:$0x18800] =	vst v63  }
0x37: {  	_ =	swait.ge [sflag:s26], $0x200  }
0x38: {  	[sflag:s26] =	ssyncset.done $0x0  }
0x39: {  	[sflag:s26] =	ssyncadd.s32 $0xFFFFFE00  }
0x3a: {  	_ =	swait.ge [sflag:s26], $0x200  }
0x3b: {  	[sflag:s26] =	ssyncset.done $0x0  }
0x3c: {  	s5 =	sadd.s32 $0xFFFFFD00, s19;
	[sflag:s26] =	ssyncadd.s32 $0xFFFFFE00  }
0x3d: {  	[tilespmem:s20], [sflag:$0x2] =	stream.indirect.gather [hbm4b:s17+s28], $0x20, s3, s28, $0xb8;
	[tilespmem:$0x18800] =	vst v63  }
0x3e: {  	s9 =	sadd.s32 $0x340, s5;
	s7 =	sadd.s32 $0xFFFFFD00, s18  }
0x3f: {  	[tilespmem:s28], [sflag:$0x1] =	stream.linear.gather [hbm4b:s9+s3], $0x200, $0x38;
	[tilespmem:$0x18800] =	vst v63  }
0x40: {  	s8 =	sadd.s32 $0x340, s7  }
0x41: {  	[tilespmem:s29], [sflag:$0x1] =	stream.linear.gather [hbm4b:s8+s3], $0x200, $0x38;
	[tilespmem:$0x18800] =	vst v63  }
0x42: {  	_ =	swait.ge [sflag:s26], $0x200  }
0x43: {  	[sflag:s26] =	ssyncset.done $0x0  }
0x44: {  	[sflag:s26] =	ssyncadd.s32 $0xFFFFFE00  }
0x45: {  	_ =	swait.ge [sflag:s26], $0x200  }
0x46: {  	[sflag:s26] =	ssyncset.done $0x0  }
0x47: {  	[sflag:s26] =	ssyncadd.s32 $0xFFFFFE00  }
0x48: {  	[tilespmem:s30], [sflag:$0x2] =	stream.indirect.gather [hbm4b:s17+s28], $0x20, s28, s28, $0xb8;
	[tilespmem:$0x18800] =	vst v63  }
0x49: {  	_ =	swait.ge [sflag:s31], $0x4000  }
0x4a: {  	[sflag:s31] =	ssyncset.done $0x0  }
0x4b: {  	[sflag:s31] =	ssyncadd.s32 $0xFFFFC000  }
0x4c: {  	[spmem:s1] =	stream.indirect.scatter.add.f32 [tilespmem:s20], [sflag:$0x3], $0x20, s22, s28, $0xb8;
	[tilespmem:$0x18800] =	vst v63  }
0x4d: {  	_ =	swait.ge [sflag:s0], $0x4000  }
0x4e: {  	[sflag:s0] =	ssyncset.done $0x0  }
0x4f: {  	s5 =	sadd.s32 $0x380, s5;
	[sflag:s0] =	ssyncadd.s32 $0xFFFFC000  }
0x50: {  	[tilespmem:s3], [sflag:$0x1] =	stream.linear.gather [hbm4b:s5+s3], $0x200, $0x38;
	[tilespmem:$0x18800] =	vst v63  }
0x51: {  	s9 =	sadd.s32 $0x380, s7  }
0x52: {  	[tilespmem:s22], [sflag:$0x1] =	stream.linear.gather [hbm4b:s9+s3], $0x200, $0x38;
	[tilespmem:$0x18800] =	vst v63  }
0x53: {  	_ =	swait.ge [sflag:s26], $0x200  }
0x54: {  	[sflag:s26] =	ssyncset.done $0x0  }
0x55: {  	[sflag:s26] =	ssyncadd.s32 $0xFFFFFE00  }
0x56: {  	_ =	swait.ge [sflag:s26], $0x200  }
0x57: {  	[sflag:s26] =	ssyncset.done $0x0  }
0x58: {  	[sflag:s26] =	ssyncadd.s32 $0xFFFFFE00  }
0x59: {  	[tilespmem:s20], [sflag:$0x2] =	stream.indirect.gather [hbm4b:s17+s28], $0x20, s3, s28, $0xb8;
	[tilespmem:$0x18800] =	vst v63  }
0x5a: {  	_ =	swait.ge [sflag:s31], $0x4000  }
0x5b: {  	[sflag:s31] =	ssyncset.done $0x0  }
0x5c: {  	[sflag:s31] =	ssyncadd.s32 $0xFFFFC000  }
0x5d: {  	[spmem:s1] =	stream.indirect.scatter.add.f32 [tilespmem:s30], [sflag:$0x3], $0x20, s29, s28, $0xb8;
	[tilespmem:$0x18800] =	vst v63  }
0x5e: {  	s6 =	simm.s32 $0xFFFFFE00;
	_ =	swait.ge [sflag:s0], $0x4000  }
0x5f: {  	s7 =	sadd.s32 $0xFFFFFD80, s19;
	s5 =	simm.s32 $0xFFFFFD80;
	[sflag:s0] =	ssyncset.done $0x0  }
.LBB2_4:
0x60: {  	s8 =	sadd.s32 $0x340, s7  }
0x61: {  	s9 =	sadd.s32 s5, s18;
	[sflag:s0] =	ssyncadd.s32 $0xFFFFC000;
	s5 =	smov.u32 s6  }
0x62: {  	[tilespmem:s28], [sflag:$0x1] =	stream.linear.gather [hbm4b:s8+s3], $0x200, $0x38;
	[tilespmem:$0x18800] =	vst v63  }
0x63: {  	p0 =	sne.s32 s6, $0xFFFFFF80;
	s6 =	sadd.s32 $0x80, s6;
	s8 =	sadd.s32 $0x340, s9  }
0x64: {  	[tilespmem:s29], [sflag:$0x1] =	stream.linear.gather [hbm4b:s8+s3], $0x200, $0x38;
	[tilespmem:$0x18800] =	vst v63  }
0x65: {  	_ =	swait.ge [sflag:s26], $0x200  }
0x66: {  	[sflag:s26] =	ssyncset.done $0x0  }
0x67: {  	[sflag:s26] =	ssyncadd.s32 $0xFFFFFE00  }
0x68: {  	_ =	swait.ge [sflag:s26], $0x200  }
0x69: {  	[sflag:s26] =	ssyncset.done $0x0  }
0x6a: {  	[sflag:s26] =	ssyncadd.s32 $0xFFFFFE00  }
0x6b: {  	[tilespmem:s30], [sflag:$0x2] =	stream.indirect.gather [hbm4b:s17+s28], $0x20, s28, s28, $0xb8;
	[tilespmem:$0x18800] =	vst v63  }
0x6c: {  	_ =	swait.ge [sflag:s31], $0x4000  }
0x6d: {  	[sflag:s31] =	ssyncset.done $0x0  }
0x6e: {  	[sflag:s31] =	ssyncadd.s32 $0xFFFFC000  }
0x6f: {  	[spmem:s1] =	stream.indirect.scatter.add.f32 [tilespmem:s20], [sflag:$0x3], $0x20, s22, s28, $0xb8;
	[tilespmem:$0x18800] =	vst v63  }
0x70: {  	_ =	swait.ge [sflag:s0], $0x4000  }
0x71: {  	[sflag:s0] =	ssyncset.done $0x0  }
0x72: {  	s7 =	sadd.s32 $0x380, s7;
	[sflag:s0] =	ssyncadd.s32 $0xFFFFC000  }
0x73: {  	[tilespmem:s3], [sflag:$0x1] =	stream.linear.gather [hbm4b:s7+s3], $0x200, $0x38;
	[tilespmem:$0x18800] =	vst v63  }
0x74: {  	s7 =	sadd.s32 $0x380, s9  }
0x75: {  	[tilespmem:s22], [sflag:$0x1] =	stream.linear.gather [hbm4b:s7+s3], $0x200, $0x38;
	[tilespmem:$0x18800] =	vst v63  }
0x76: {  	_ =	swait.ge [sflag:s26], $0x200  }
0x77: {  	[sflag:s26] =	ssyncset.done $0x0  }
0x78: {  	[sflag:s26] =	ssyncadd.s32 $0xFFFFFE00  }
0x79: {  	_ =	swait.ge [sflag:s26], $0x200  }
0x7a: {  	[sflag:s26] =	ssyncset.done $0x0  }
0x7b: {  	[sflag:s26] =	ssyncadd.s32 $0xFFFFFE00  }
0x7c: {  	[tilespmem:s20], [sflag:$0x2] =	stream.indirect.gather [hbm4b:s17+s28], $0x20, s3, s28, $0xb8;
	[tilespmem:$0x18800] =	vst v63  }
0x7d: {  	_ =	swait.ge [sflag:s31], $0x4000  }
.Ltmp1:
0x7e: {  	[sflag:s31] =	ssyncset.done $0x0;
	(pc) =	sbr.rel @p0 .LBB2_4-.Ltmp1, $4  }
0x7f: {  	[sflag:s31] =	ssyncadd.s32 $0xFFFFC000  }
0x80: {  	[spmem:s1] =	stream.indirect.scatter.add.f32 [tilespmem:s30], [sflag:$0x3], $0x20, s29, s28, $0xb8;
	[tilespmem:$0x18800] =	vst v63  }
0x81: {  	_ =	swait.ge [sflag:s0], $0x4000  }
0x82: {  	s7 =	sadd.s32 s5, s19;
	[sflag:s0] =	ssyncset.done $0x0  }
0x83: {  	s6 =	sadd.s32 $0x340, s7;
	s5 =	sadd.s32 s5, s18;
	[sflag:s0] =	ssyncadd.s32 $0xFFFFC000  }
0x84: {  	[tilespmem:s28], [sflag:$0x1] =	stream.linear.gather [hbm4b:s6+s3], $0x200, $0x38;
	[tilespmem:$0x18800] =	vst v63  }
0x85: {  	s8 =	sadd.s32 $0x340, s5  }
0x86: {  	[tilespmem:s29], [sflag:$0x1] =	stream.linear.gather [hbm4b:s8+s3], $0x200, $0x38;
	[tilespmem:$0x18800] =	vst v63  }
0x87: {  	_ =	swait.ge [sflag:s26], $0x200  }
0x88: {  	[sflag:s26] =	ssyncset.done $0x0  }
0x89: {  	[sflag:s26] =	ssyncadd.s32 $0xFFFFFE00  }
0x8a: {  	_ =	swait.ge [sflag:s26], $0x200  }
0x8b: {  	[sflag:s26] =	ssyncset.done $0x0  }
0x8c: {  	[sflag:s26] =	ssyncadd.s32 $0xFFFFFE00  }
0x8d: {  	[tilespmem:s30], [sflag:$0x2] =	stream.indirect.gather [hbm4b:s17+s28], $0x20, s28, s28, $0xb8;
	[tilespmem:$0x18800] =	vst v63  }
0x8e: {  	_ =	swait.ge [sflag:s31], $0x4000  }
0x8f: {  	[sflag:s31] =	ssyncset.done $0x0  }
0x90: {  	[sflag:s31] =	ssyncadd.s32 $0xFFFFC000  }
0x91: {  	[spmem:s1] =	stream.indirect.scatter.add.f32 [tilespmem:s20], [sflag:$0x3], $0x20, s22, s28, $0xb8;
	[tilespmem:$0x18800] =	vst v63  }
0x92: {  	_ =	swait.ge [sflag:s0], $0x4000  }
0x93: {  	[sflag:s0] =	ssyncset.done $0x0  }
0x94: {  	s9 =	sadd.s32 $0x380, s7;
	[sflag:s0] =	ssyncadd.s32 $0xFFFFC000  }
0x95: {  	[tilespmem:s3], [sflag:$0x1] =	stream.linear.gather [hbm4b:s9+s3], $0x200, $0x38;
	[tilespmem:$0x18800] =	vst v63  }
0x96: {  	s5 =	sadd.s32 $0x380, s5  }
0x97: {  	[tilespmem:s22], [sflag:$0x1] =	stream.linear.gather [hbm4b:s5+s3], $0x200, $0x38;
	[tilespmem:$0x18800] =	vst v63  }
0x98: {  	_ =	swait.ge [sflag:s26], $0x200  }
0x99: {  	[sflag:s26] =	ssyncset.done $0x0  }
0x9a: {  	[sflag:s26] =	ssyncadd.s32 $0xFFFFFE00  }
0x9b: {  	_ =	swait.ge [sflag:s26], $0x200  }
0x9c: {  	[sflag:s26] =	ssyncset.done $0x0  }
0x9d: {  	[sflag:s26] =	ssyncadd.s32 $0xFFFFFE00  }
0x9e: {  	[tilespmem:s20], [sflag:$0x2] =	stream.indirect.gather [hbm4b:s17+s28], $0x20, s3, s28, $0xb8;
	[tilespmem:$0x18800] =	vst v63  }
0x9f: {  	_ =	swait.ge [sflag:s31], $0x4000  }
0xa0: {  	[sflag:s31] =	ssyncset.done $0x0  }
0xa1: {  	[sflag:s31] =	ssyncadd.s32 $0xFFFFC000  }
0xa2: {  	[spmem:s1] =	stream.indirect.scatter.add.f32 [tilespmem:s30], [sflag:$0x3], $0x20, s29, s28, $0xb8;
	[tilespmem:$0x18800] =	vst v63  }
0xa3: {  	_ =	swait.ge [sflag:s0], $0x4000  }
0xa4: {  	[sflag:s0] =	ssyncset.done $0x0  }
0xa5: {  	[sflag:s0] =	ssyncadd.s32 $0xFFFFC000  }
0xa6: {  	[tilespmem:s28], [sflag:$0x1] =	stream.linear.gather [hbm4b:s12+s3], $0x200, $0x38;
	[tilespmem:$0x18800] =	vst v63  }
0xa7: {  	_ = 	snop  }
0xa8: {  	[tilespmem:s29], [sflag:$0x1] =	stream.linear.gather [hbm4b:s13+s3], $0x200, $0x38;
	[tilespmem:$0x18800] =	vst v63  }
0xa9: {  	_ =	swait.ge [sflag:s26], $0x200  }
0xaa: {  	[sflag:s26] =	ssyncset.done $0x0  }
0xab: {  	[sflag:s26] =	ssyncadd.s32 $0xFFFFFE00  }
0xac: {  	_ =	swait.ge [sflag:s26], $0x200  }
0xad: {  	[sflag:s26] =	ssyncset.done $0x0  }
0xae: {  	[sflag:s26] =	ssyncadd.s32 $0xFFFFFE00  }
0xaf: {  	[tilespmem:s30], [sflag:$0x2] =	stream.indirect.gather [hbm4b:s17+s28], $0x20, s28, s28, $0xb8;
	[tilespmem:$0x18800] =	vst v63  }
0xb0: {  	_ =	swait.ge [sflag:s31], $0x4000  }
0xb1: {  	[sflag:s31] =	ssyncset.done $0x0  }
0xb2: {  	[sflag:s31] =	ssyncadd.s32 $0xFFFFC000  }
0xb3: {  	[spmem:s1] =	stream.indirect.scatter.add.f32 [tilespmem:s20], [sflag:$0x3], $0x20, s22, s28, $0xb8;
	[tilespmem:$0x18800] =	vst v63  }
0xb4: {  	_ =	swait.ge [sflag:s0], $0x4000  }
0xb5: {  	[sflag:s0] =	ssyncset.done $0x0  }
0xb6: {  	[sflag:s0] =	ssyncadd.s32 $0xFFFFC000  }
0xb7: {  	_ =	swait.ge [sflag:s31], $0x4000  }
0xb8: {  	[sflag:s31] =	ssyncset.done $0x0  }
0xb9: {  	[sflag:s31] =	ssyncadd.s32 $0xFFFFC000  }
0xba: {  	[spmem:s1] =	stream.indirect.scatter.add.f32 [tilespmem:s30], [sflag:$0x3], $0x20, s29, s28, $0xb8;
	[tilespmem:$0x18800] =	vst v63  }
0xbb: {  	_ =	swait.ge [sflag:s0], $0x4000  }
0xbc: {  	[sflag:s0] =	ssyncset.done $0x0  }
0xbd: {  	s6 =	stileid.u32;
	[sflag:s0] =	ssyncadd.s32 $0xFFFFC000  }
0xbe: {  	s5 =	sshll.u32 s6, $0x6;
	[bflag:$0x0] =	sbarrier.arrive $0xFFFF  }
0xbf: {  	s7 =	sshrl.u32 s4, $0x3;
	s5 =	sor.u32 $0x1C04, s5;
	s8 =	rddreg [dreg:$0x7]  }
0xc0: {  	[hbm:s8], [sflag:s5] =	dma.local [spmem:s7], $0x800  }
0xc1: {  	_ =	swait.ge [sflag:s21], $0x800  }
0xc2: {  	[sflag:s21] =	ssyncset.done $0x0  }
0xc3: {  	[sflag:s21] =	ssyncadd.s32 $0xFFFFF800  }
0xc4: {  	[hbm:s14], [sflag:s5] =	dma.local [spmem:s23], $0x800  }
0xc5: {  	_ =	swait.ge [sflag:s21], $0x800  }
0xc6: {  	[sflag:s21] =	ssyncset.done $0x0  }
0xc7: {  	[sflag:s21] =	ssyncadd.s32 $0xFFFFF800  }
0xc8: {  	[hbm:s15], [sflag:s5] =	dma.local [spmem:s24], $0x800  }
0xc9: {  	_ =	swait.ge [sflag:s21], $0x800  }
0xca: {  	[sflag:s21] =	ssyncset.done $0x0  }
0xcb: {  	[sflag:s21] =	ssyncadd.s32 $0xFFFFF800  }
0xcc: {  	[hbm:s16], [sflag:s5] =	dma.local [spmem:s25], $0x800  }
0xcd: {  	_ =	swait.ge [sflag:s21], $0x800  }
0xce: {  	s2 =	sadd.s32 $0x1, s2;
	s9 =	rddreg [dreg:$0x8]  }
0xcf: {  	p0 =	sne.s32 s2, s9  }
.Ltmp2:
0xd0: {  	_ = 	snop;
	(pc) =	sbr.rel @p0 .LBB2_1-.Ltmp2, $3  }
0xd1: {  	_ =	sdelay $0x1  }
0xd2: {  	[sflag:s21] =	ssyncset.done $0x0  }
0xd3: {  	[sflag:s21] =	ssyncadd.s32 $0xFFFFF800  }
0xd4: {  	_ =	sfence.sel $0x180000  }
0xd5: {  	[bflag:$0x0] =	sbarrier.arrive $0xFFFF  }
0xd6: {  	_ =	strace $0x90000047  }
0xd7: {  	s0 =	stileid.u32;
	[bflag:$0x2] =	sbarrier.arrive $0xFFFF  }
0xd8: {  	p0 =	sne.s32 s0, $0x0;
	s0 =	rddreg [dreg:$0x4]  }
0xd9: {  	s0 =	sadd.s32 @!p0 $0x100000, s0  }
0xda: {  	[sflag:s0] =	ssyncadd.tile.s32 @!p0 $0x1;
	_ =	shalt  }
.Lfunc_end2:
_tile_overlayer_lowered:
.L_overlay_start_2:
0xdb: {  	(tag) =	ssettag $0x2  }
0xdc: {  	s0 =	rddreg [dreg:$0x0];
	s2 =	stileid.u32  }
0xdd: {  	s1 =	rddreg [dreg:$0x1];
	p0 =	sne.s32 s2, $0x0  }
0xde: {  	s3 =	rddreg [dreg:$0x2];
	[bflag:$0x3] =	sbarrier.arrive $0xFFFF;
	s2 =	simm.s32 @!p0 $0x1C04  }
0xdf: {  	[timem:s3], [sflag:s2] =	dma.local @!p0 [hbm:s0], s1  }
0xe0: {  	s0 =	simm.s32 @!p0 $0x4  }
0xe1: {  	_ =	swait.ge @!p0 [sflag:s0], s1  }
0xe2: {  	s1 =	ssub.s32 @!p0 $0x0, s1;
	[sflag:s0] =	ssyncset.done @!p0 $0x0  }
0xe3: {  	[sflag:s0] =	ssyncadd.s32 @!p0 s1  }
0xe4: {  	[bflag:$0x3] =	sbarrier.arrive $0xFFFF  }
0xe5: {  	_ =	shalt  }

</sc_bundles>
